<compile_context>
chip_gen: v7x
topology: tpu7x:2x2x1
jax: 0.10.2.dev20260603
libtpu: 0.0.44.dev20260713+nightly
codegen_flags: <defaults>
</compile_context>

<pallas_src>
import functools

import jax
import jax.numpy as jnp
from jax import lax
from jax.experimental import pallas as pl
from jax.experimental.pallas import tpu as pltpu
from jax.experimental.pallas import tpu_sc as plsc

_B, _D, _L, _K = 16, 32, 1024, 8192
_N = _B * _L
_CHUNK = 1024
_STRIP = 4096
_SUBS = _STRIP // _CHUNK
_NSTRIP = _K // _STRIP
_COMMITMENT_COST = 0.25


def _round_f32_to_bf16_f32(v):
    b = jax.lax.bitcast_convert_type(v, jnp.uint32)
    lsb = jax.lax.shift_right_logical(b, jnp.uint32(16)) & jnp.uint32(1)
    r = (b + jnp.uint32(0x7FFF) + lsb) & jnp.uint32(0xFFFF0000)
    return jax.lax.bitcast_convert_type(r, jnp.float32)


def _vq_body(x_ref, emb_ref, sx_ref, se_ref, idx_ref, md_ref):
    xT = x_ref[0]
    sx = sx_ref[0]
    best = jnp.full((1, _L), jnp.inf, jnp.float32)
    bestd = jnp.full((1, _L), jnp.inf, jnp.float32)
    bidx = jnp.zeros((1, _L), jnp.int32)
    rows = jax.lax.broadcasted_iota(
        jnp.int32, (_CHUNK, _L), 0).astype(jnp.float32)
    for s in range(_NSTRIP):
        sm = jnp.full((1, _L), jnp.inf, jnp.float32)
        sa = jnp.zeros((1, _L), jnp.int32)
        for c in range(_SUBS):
            k0 = s * _STRIP + c * _CHUNK
            ec2 = emb_ref[pl.ds(k0, _CHUNK), :]
            sec = se_ref[pl.ds(k0, _CHUNK), :]
            mm2 = jax.lax.dot_general(ec2, xT, (((1,), (0,)), ((), ())),
                                      preferred_element_type=jnp.float32)
            dist = (sx + sec) - mm2
            m = jnp.min(dist, axis=0, keepdims=True)
            lidx_f = jnp.min(jnp.where(dist == m, rows, jnp.float32(_K)),
                             axis=0, keepdims=True)
            upd = m < sm
            sm = jnp.where(upd, m, sm)
            sa = jnp.where(upd, lidx_f.astype(jnp.int32) + k0, sa)
        take = sm < best
        best = _round_f32_to_bf16_f32(jnp.where(take, sm, best))
        bestd = jnp.where(take, sm, bestd)
        bidx = jnp.where(take, sa, bidx)
    idx_ref[0] = bidx
    md_ref[0] = bestd


def _tc_argmin(inputs, embeddings, sx, se):
    return pl.pallas_call(
        _vq_body,
        grid=(_B,),
        compiler_params=pltpu.CompilerParams(
            dimension_semantics=("parallel",)),
        in_specs=[
            pl.BlockSpec((1, _D, _L), lambda b: (b, 0, 0)),
            pl.BlockSpec((_K, _D), lambda b: (0, 0)),
            pl.BlockSpec((1, 1, _L), lambda b: (b, 0, 0)),
            pl.BlockSpec((_K, 1), lambda b: (0, 0)),
        ],
        out_specs=[
            pl.BlockSpec((1, 1, _L), lambda b: (b, 0, 0)),
            pl.BlockSpec((1, 1, _L), lambda b: (b, 0, 0)),
        ],
        out_shape=[
            jax.ShapeDtypeStruct((_B, 1, _L), jnp.int32),
            jax.ShapeDtypeStruct((_B, 1, _L), jnp.float32),
        ],
    )(inputs, embeddings, sx, se)


def _sc_gather(embeddings, idx_flat):
    emb128 = jnp.pad(embeddings, ((0, 0), (0, 128 - _D)))
    info = plsc.get_sparse_core_info()
    nc, ns = info.num_cores, info.num_subcores
    nw = nc * ns
    b_per_w = _N // nw
    mesh = plsc.VectorSubcoreMesh(core_axis_name="c", subcore_axis_name="s")

    @functools.partial(
        pl.kernel, mesh=mesh,
        out_type=jax.ShapeDtypeStruct((_N, 128), jnp.float32),
        scratch_types=[
            pltpu.VMEM((b_per_w,), jnp.int32),
            pltpu.VMEM((b_per_w, 128), jnp.float32),
            pltpu.SemaphoreType.DMA,
        ],
    )
    def gather_kernel(emb_hbm, idx_hbm, out_hbm, idx_v, rows_v, sem):
        wid = lax.axis_index("s") * nc + lax.axis_index("c")
        base = wid * b_per_w
        pltpu.sync_copy(idx_hbm.at[pl.ds(base, b_per_w)], idx_v)
        pltpu.async_copy(emb_hbm.at[idx_v], rows_v, sem).wait()
        pltpu.sync_copy(rows_v, out_hbm.at[pl.ds(base, b_per_w)])

    return gather_kernel(emb128, idx_flat)[:, :_D]


def kernel(inputs, embeddings):
    x = jnp.transpose(inputs, (0, 2, 1))
    flat = x.reshape(-1, _D)
    sx = jnp.sum(flat ** 2, axis=1, keepdims=True).reshape(_B, 1, _L)
    se = jnp.sum(embeddings ** 2, axis=1).reshape(_K, 1)
    idx, md = _tc_argmin(inputs, embeddings + embeddings, sx, se)
    qrows = _sc_gather(embeddings, idx.reshape(-1))
    q_st = flat + (qrows - flat)
    quantized_out = jnp.transpose(q_st.reshape(_B, _L, _D), (0, 2, 1))
    loss = _COMMITMENT_COST * (jnp.sum(md) / (_B * _L * _D))
    return (loss, quantized_out, idx.reshape(_B, _L))

# --- scband reference (transcript-rebuilt; emitter-appended) ---
"""Pipeline reference for scband-vector-quantizer-ema-2259152797971 (READ-ONLY COPY).

The authoritative reference and input builder live on the scoring server;
editing this copy changes nothing except your own understanding.
"""

import jax, jax.numpy as jnp
import numpy as np

B = 16
D = 32      # embedding_dim / code_dim
L = 1024    # tokens per image (512/16)^2
K = 8192    # num_embeddings
COMMITMENT_COST = 0.25


def setup_inputs(seed: int = 0) -> dict:
    key = jax.random.key(seed)
    k1, k2 = jax.random.split(key)
    inputs = jax.random.normal(k1, (B, D, L), dtype=jnp.float32)
    # codebook initialized uniform(-1/K, 1/K) as in the torch module
    embeddings = jax.random.uniform(k2, (K, D), dtype=jnp.float32, minval=-1.0 / K, maxval=1.0 / K)
    return {"inputs": inputs, "embeddings": embeddings}


def reference(inputs, embeddings):
    # inputs: [B, D, L] -> permute to [B, L, D]
    x = jnp.transpose(inputs, (0, 2, 1))
    input_shape = x.shape
    flat_input = x.reshape(-1, D)  # [B*L, D]
    # squared L2 distances to every codebook entry
    distances = (
        jnp.sum(flat_input ** 2, axis=1, keepdims=True)
        + jnp.sum(embeddings ** 2, axis=1)
        - 2.0 * jnp.matmul(flat_input, embeddings.T)
    )  # [B*L, K]
    encoding_indices = jnp.argmin(distances, axis=1)  # [B*L]
    # one-hot @ embeddings == gather rows
    quantized = jnp.take(embeddings, encoding_indices, axis=0).reshape(input_shape)  # [B, L, D]
    e_latent_loss = jnp.mean((jax.lax.stop_gradient(quantized) - x) ** 2)
    loss = COMMITMENT_COST * e_latent_loss
    # straight-through estimator
    quantized_st = x + jax.lax.stop_gradient(quantized - x)
    quantized_out = jnp.transpose(quantized_st, (0, 2, 1))  # [B, D, L]
    return (loss, quantized_out, encoding_indices.reshape(input_shape[0], -1))

if __name__ == "__main__":
    import jax
    _d = setup_inputs()
    print(jax.jit(kernel)(*tuple(_d.values())))

</pallas_src>

<mosaic_0001>
#map = affine_map<(d0, d1) -> (0, 0)>
#map1 = affine_map<(d0, d1) -> (0)>
module attributes {stable_mosaic.version = 14 : i64} {
  func.func @gather_kernel(%arg0: i32, %arg1: i32, %arg2: memref<8192x128xf32, #tpu.memory_space<hbm>>, %arg3: memref<16384xi32, #tpu.memory_space<hbm>>, %arg4: memref<16384x128xf32, #tpu.memory_space<hbm>>, %arg5: memref<512xi32, #tpu.memory_space<vmem>>, %arg6: memref<512x128xf32, #tpu.memory_space<vmem>>, %arg7: memref<!tpu.dma_semaphore, #tpu.memory_space<semaphore_mem>>) attributes {dimension_semantics = [#tpu.dimension_semantics<core_parallel>, #tpu.dimension_semantics<subcore_parallel>], iteration_bounds = array<i64: 2, 16>, scalar_prefetch = 0 : i64, scratch_operands = 3 : i64, tpu.core_type = #tpu.core_type<sc_vector_subcore>, window_params = [{transform_indices = #map}, {transform_indices = #map1}, {transform_indices = #map}]} {
    %mul3A = arith.constant 2 : i32
    %mul3A_0 = arith.muli %arg1, %mul3A : i32
    %add3A = arith.addi %mul3A_0, %arg0 : i32
    %mul3A_1 = arith.constant 512 : i32
    %mul3A_2 = arith.muli %add3A, %mul3A_1 : i32
    "tpu.region"() ({
      %run_scoped3A = tpu.sem_alloc : memref<!tpu.dma_semaphore, #tpu.memory_space<semaphore_mem>>
      %dma_start3A_7 = tpu.memref_slice %arg3[%mul3A_2] : memref<16384xi32, #tpu.memory_space<hbm>> -> memref<512xi32, #tpu.memory_space<hbm>>
      %dma_start3A_8 = tpu.memref_slice %arg3[%mul3A_2] : memref<16384xi32, #tpu.memory_space<hbm>> -> memref<512xi32, #tpu.memory_space<hbm>>
      tpu.enqueue_dma source(%dma_start3A_8 : memref<512xi32, #tpu.memory_space<hbm>>) target(%arg5 : memref<512xi32, #tpu.memory_space<vmem>>) target_semaphore(%run_scoped3A : memref<!tpu.dma_semaphore, #tpu.memory_space<semaphore_mem>>)
      %dma_wait3A_9 = tpu.memref_slice %arg3[%mul3A_2] : memref<16384xi32, #tpu.memory_space<hbm>> -> memref<512xi32, #tpu.memory_space<hbm>>
      %dma_wait3A_10 = tpu.memref_slice %arg3[%mul3A_2] : memref<16384xi32, #tpu.memory_space<hbm>> -> memref<512xi32, #tpu.memory_space<hbm>>
      tpu.wait_dma2 semaphore(%run_scoped3A : memref<!tpu.dma_semaphore, #tpu.memory_space<semaphore_mem>>) src(%dma_wait3A_10 : memref<512xi32, #tpu.memory_space<hbm>>) dst(%arg5 : memref<512xi32, #tpu.memory_space<vmem>>)
      tpu.yield
    }) : () -> ()
    %dma_start3A = arith.constant 0 : i32
    %dma_start3A_3 = arith.constant 0 : i32
    %dma_start3A_4 = tpu.memref_slice %arg2[%dma_start3A, %dma_start3A_3] : memref<8192x128xf32, #tpu.memory_space<hbm>> -> memref<8192x128xf32, #tpu.memory_space<hbm>>
    tpu.enqueue_indirect_dma source(%dma_start3A_4 : memref<8192x128xf32, #tpu.memory_space<hbm>>) target(%arg6 : memref<512x128xf32, #tpu.memory_space<vmem>>) offsets(%arg5 : memref<512xi32, #tpu.memory_space<vmem>>) semaphore(%arg7 : memref<!tpu.dma_semaphore, #tpu.memory_space<semaphore_mem>>)
    %dma_wait3A = arith.constant 0 : i32
    %dma_wait3A_5 = arith.constant 0 : i32
    %dma_wait3A_6 = tpu.memref_slice %arg2[%dma_wait3A, %dma_wait3A_5] : memref<8192x128xf32, #tpu.memory_space<hbm>> -> memref<8192x128xf32, #tpu.memory_space<hbm>>
    tpu.wait_indirect_dma semaphore(%arg7 : memref<!tpu.dma_semaphore, #tpu.memory_space<semaphore_mem>>) src(%dma_wait3A_6 : memref<8192x128xf32, #tpu.memory_space<hbm>>) dst(%arg6 : memref<512x128xf32, #tpu.memory_space<vmem>>)
    "tpu.region"() ({
      %run_scoped3A = tpu.sem_alloc : memref<!tpu.dma_semaphore, #tpu.memory_space<semaphore_mem>>
      %dma_start3A_7 = arith.constant 0 : i32
      %dma_start3A_8 = tpu.memref_slice %arg4[%mul3A_2, %dma_start3A_7] : memref<16384x128xf32, #tpu.memory_space<hbm>> -> memref<512x128xf32, #tpu.memory_space<hbm>>
      %dma_start3A_9 = arith.constant 0 : i32
      %dma_start3A_10 = tpu.memref_slice %arg4[%mul3A_2, %dma_start3A_9] : memref<16384x128xf32, #tpu.memory_space<hbm>> -> memref<512x128xf32, #tpu.memory_space<hbm>>
      tpu.enqueue_dma source(%arg6 : memref<512x128xf32, #tpu.memory_space<vmem>>) target(%dma_start3A_10 : memref<512x128xf32, #tpu.memory_space<hbm>>) target_semaphore(%run_scoped3A : memref<!tpu.dma_semaphore, #tpu.memory_space<semaphore_mem>>)
      %dma_wait3A_11 = arith.constant 0 : i32
      %dma_wait3A_12 = tpu.memref_slice %arg4[%mul3A_2, %dma_wait3A_11] : memref<16384x128xf32, #tpu.memory_space<hbm>> -> memref<512x128xf32, #tpu.memory_space<hbm>>
      %dma_wait3A_13 = arith.constant 0 : i32
      %dma_wait3A_14 = tpu.memref_slice %arg4[%mul3A_2, %dma_wait3A_13] : memref<16384x128xf32, #tpu.memory_space<hbm>> -> memref<512x128xf32, #tpu.memory_space<hbm>>
      tpu.wait_dma2 semaphore(%run_scoped3A : memref<!tpu.dma_semaphore, #tpu.memory_space<semaphore_mem>>) src(%arg6 : memref<512x128xf32, #tpu.memory_space<vmem>>) dst(%dma_wait3A_14 : memref<512x128xf32, #tpu.memory_space<hbm>>)
      tpu.yield
    }) : () -> ()
    return
  }
}

module attributes {stable_mosaic.version = 14 : i64} {
  func.func @_vq_body(%arg0: i32, %arg1: memref<1x32x1024xf32, #tpu.memory_space<vmem>>, %arg2: memref<8192x32xf32, #tpu.memory_space<vmem>>, %arg3: memref<1x1x1024xf32, #tpu.memory_space<vmem>>, %arg4: memref<8192x1xf32, #tpu.memory_space<vmem>>, %arg5: memref<1x1x1024xi32, #tpu.memory_space<vmem>>, %arg6: memref<1x1x1024xf32, #tpu.memory_space<vmem>>) attributes {dimension_semantics = [#tpu.dimension_semantics<parallel>], iteration_bounds = array<i64: 16>, scalar_prefetch = 0 : i64, scratch_operands = 0 : i64, tpu.core_type = #tpu.core_type<tc>, window_params = [{transform_indices = @transform_0, window_bounds = array<i64: 1, 32, 1024>}, {pipeline_mode = #tpu.pipeline_mode<synchronous>, transform_indices = @transform_1, window_bounds = array<i64: 8192, 32>}, {transform_indices = @transform_2, window_bounds = array<i64: 1, 1, 1024>}, {pipeline_mode = #tpu.pipeline_mode<synchronous>, transform_indices = @transform_3, window_bounds = array<i64: 8192, 1>}, {transform_indices = @transform_4, window_bounds = array<i64: 1, 1, 1024>}, {transform_indices = @transform_5, window_bounds = array<i64: 1, 1, 1024>}]} {
    %get3A = arith.constant 0 : index
    %get3A_0 = arith.constant 0 : index
    %get3A_1 = arith.constant 0 : index
    %get3A_2 = vector.load %arg1[%get3A, %get3A_0, %get3A_1] : memref<1x32x1024xf32, #tpu.memory_space<vmem>>, vector<1x32x1024xf32>
    %get3A_3 = vector.shape_cast %get3A_2 : vector<1x32x1024xf32> to vector<32x1024xf32>
    %get3A_4 = arith.constant 0 : index
    %get3A_5 = arith.constant 0 : index
    %get3A_6 = arith.constant 0 : index
    %get3A_7 = vector.load %arg3[%get3A_4, %get3A_5, %get3A_6] : memref<1x1x1024xf32, #tpu.memory_space<vmem>>, vector<1x1x1024xf32>
    %get3A_8 = vector.shape_cast %get3A_7 : vector<1x1x1024xf32> to vector<1x1024xf32>
    %broadcast_in_dim3A = arith.constant 0x7F800000 : f32
    %broadcast_in_dim3A_9 = vector.broadcast %broadcast_in_dim3A : f32 to vector<1x1024xf32>
    %broadcast_in_dim3A_10 = arith.constant 0x7F800000 : f32
    %broadcast_in_dim3A_11 = vector.broadcast %broadcast_in_dim3A_10 : f32 to vector<1x1024xf32>
    %broadcast_in_dim3A_12 = arith.constant 0 : i32
    %broadcast_in_dim3A_13 = vector.broadcast %broadcast_in_dim3A_12 : i32 to vector<1x1024xi32>
    %iota3A = tpu.iota {dimensions = array<i32: 0>} : vector<1024x1024xi32>
    %convert_element_type3A = arith.sitofp %iota3A : vector<1024x1024xi32> to vector<1024x1024xf32>
    %broadcast_in_dim3A_14 = arith.constant 0x7F800000 : f32
    %broadcast_in_dim3A_15 = vector.broadcast %broadcast_in_dim3A_14 : f32 to vector<1x1024xf32>
    %broadcast_in_dim3A_16 = arith.constant 0 : i32
    %broadcast_in_dim3A_17 = vector.broadcast %broadcast_in_dim3A_16 : i32 to vector<1x1024xi32>
    %get3A_18 = arith.constant 0 : index
    %get3A_19 = arith.constant 0 : index
    %get3A_20 = vector.load %arg2[%get3A_18, %get3A_19] : memref<8192x32xf32, #tpu.memory_space<vmem>>, vector<1024x32xf32>
    %get3A_21 = arith.constant 0 : index
    %get3A_22 = arith.constant 0 : index
    %get3A_23 = vector.load %arg4[%get3A_21, %get3A_22] : memref<8192x1xf32, #tpu.memory_space<vmem>>, vector<1024x1xf32>
    %dot_general3A = arith.constant dense<0.000000e+00> : vector<1024x1024xf32>
    %dot_general3A_24 = tpu.matmul %get3A_20, %get3A_3, %dot_general3A {dimension_numbers = #tpu.dot_dimension_numbers<[1], [0], [0], [1], [0, 0, 1, 1], [], []>, transpose_lhs_hint = false} : vector<1024x32xf32>, vector<32x1024xf32>, vector<1024x1024xf32> -> vector<1024x1024xf32>
    %add3A = vector.broadcast %get3A_8 : vector<1x1024xf32> to vector<1024x1024xf32>
    %add3A_25 = vector.broadcast %get3A_23 : vector<1024x1xf32> to vector<1024x1024xf32>
    %add3A_26 = arith.addf %add3A, %add3A_25 : vector<1024x1024xf32>
    %sub3A = arith.subf %add3A_26, %dot_general3A_24 : vector<1024x1024xf32>
    %reduce_min3A = arith.constant dense<0x7F800000> : vector<1024xf32>
    %reduce_min3A_27 = vector.multi_reduction <minimumf>, %sub3A, %reduce_min3A [0] : vector<1024x1024xf32> to vector<1024xf32>
    %broadcast_in_dim3A_28 = vector.shape_cast %reduce_min3A_27 : vector<1024xf32> to vector<1x1024xf32>
    %eq3A = vector.broadcast %broadcast_in_dim3A_28 : vector<1x1024xf32> to vector<1024x1024xf32>
    %eq3A_29 = arith.cmpf oeq, %sub3A, %eq3A : vector<1024x1024xf32>
    %jit3A = arith.constant 8.192000e+03 : f32
    %broadcast_in_dim3A_30 = vector.broadcast %jit3A : f32 to vector<1024x1024xf32>
    %select_n3A = arith.select %eq3A_29, %convert_element_type3A, %broadcast_in_dim3A_30 : vector<1024x1024xi1>, vector<1024x1024xf32>
    %reduce_min3A_31 = arith.constant dense<0x7F800000> : vector<1024xf32>
    %reduce_min3A_32 = vector.multi_reduction <minimumf>, %select_n3A, %reduce_min3A_31 [0] : vector<1024x1024xf32> to vector<1024xf32>
    %broadcast_in_dim3A_33 = vector.shape_cast %reduce_min3A_32 : vector<1024xf32> to vector<1x1024xf32>
    %lt3A = arith.cmpf olt, %broadcast_in_dim3A_28, %broadcast_in_dim3A_15 : vector<1x1024xf32>
    %select_n3A_34 = arith.select %lt3A, %broadcast_in_dim3A_28, %broadcast_in_dim3A_15 : vector<1x1024xi1>, vector<1x1024xf32>
    %convert_element_type3A_35 = arith.fptosi %broadcast_in_dim3A_33 : vector<1x1024xf32> to vector<1x1024xi32>
    %add3A_36 = arith.constant 0 : i32
    %add3A_37 = vector.broadcast %add3A_36 : i32 to vector<1x1024xi32>
    %add3A_38 = arith.addi %convert_element_type3A_35, %add3A_37 : vector<1x1024xi32>
    %select_n3A_39 = arith.select %lt3A, %add3A_38, %broadcast_in_dim3A_17 : vector<1x1024xi1>, vector<1x1024xi32>
    %get3A_40 = arith.constant 1024 : index
    %get3A_41 = arith.constant 0 : index
    %get3A_42 = vector.load %arg2[%get3A_40, %get3A_41] : memref<8192x32xf32, #tpu.memory_space<vmem>>, vector<1024x32xf32>
    %get3A_43 = arith.constant 1024 : index
    %get3A_44 = arith.constant 0 : index
    %get3A_45 = vector.load %arg4[%get3A_43, %get3A_44] : memref<8192x1xf32, #tpu.memory_space<vmem>>, vector<1024x1xf32>
    %dot_general3A_46 = arith.constant dense<0.000000e+00> : vector<1024x1024xf32>
    %dot_general3A_47 = tpu.matmul %get3A_42, %get3A_3, %dot_general3A_46 {dimension_numbers = #tpu.dot_dimension_numbers<[1], [0], [0], [1], [0, 0, 1, 1], [], []>, transpose_lhs_hint = false} : vector<1024x32xf32>, vector<32x1024xf32>, vector<1024x1024xf32> -> vector<1024x1024xf32>
    %add3A_48 = vector.broadcast %get3A_8 : vector<1x1024xf32> to vector<1024x1024xf32>
    %add3A_49 = vector.broadcast %get3A_45 : vector<1024x1xf32> to vector<1024x1024xf32>
    %add3A_50 = arith.addf %add3A_48, %add3A_49 : vector<1024x1024xf32>
    %sub3A_51 = arith.subf %add3A_50, %dot_general3A_47 : vector<1024x1024xf32>
    %reduce_min3A_52 = arith.constant dense<0x7F800000> : vector<1024xf32>
    %reduce_min3A_53 = vector.multi_reduction <minimumf>, %sub3A_51, %reduce_min3A_52 [0] : vector<1024x1024xf32> to vector<1024xf32>
    %broadcast_in_dim3A_54 = vector.shape_cast %reduce_min3A_53 : vector<1024xf32> to vector<1x1024xf32>
    %eq3A_55 = vector.broadcast %broadcast_in_dim3A_54 : vector<1x1024xf32> to vector<1024x1024xf32>
    %eq3A_56 = arith.cmpf oeq, %sub3A_51, %eq3A_55 : vector<1024x1024xf32>
    %jit3A_57 = arith.constant 8.192000e+03 : f32
    %broadcast_in_dim3A_58 = vector.broadcast %jit3A_57 : f32 to vector<1024x1024xf32>
    %select_n3A_59 = arith.select %eq3A_56, %convert_element_type3A, %broadcast_in_dim3A_58 : vector<1024x1024xi1>, vector<1024x1024xf32>
    %reduce_min3A_60 = arith.constant dense<0x7F800000> : vector<1024xf32>
    %reduce_min3A_61 = vector.multi_reduction <minimumf>, %select_n3A_59, %reduce_min3A_60 [0] : vector<1024x1024xf32> to vector<1024xf32>
    %broadcast_in_dim3A_62 = vector.shape_cast %reduce_min3A_61 : vector<1024xf32> to vector<1x1024xf32>
    %lt3A_63 = arith.cmpf olt, %broadcast_in_dim3A_54, %select_n3A_34 : vector<1x1024xf32>
    %select_n3A_64 = arith.select %lt3A_63, %broadcast_in_dim3A_54, %select_n3A_34 : vector<1x1024xi1>, vector<1x1024xf32>
    %convert_element_type3A_65 = arith.fptosi %broadcast_in_dim3A_62 : vector<1x1024xf32> to vector<1x1024xi32>
    %add3A_66 = arith.constant 1024 : i32
    %add3A_67 = vector.broadcast %add3A_66 : i32 to vector<1x1024xi32>
    %add3A_68 = arith.addi %convert_element_type3A_65, %add3A_67 : vector<1x1024xi32>
    %select_n3A_69 = arith.select %lt3A_63, %add3A_68, %select_n3A_39 : vector<1x1024xi1>, vector<1x1024xi32>
    %get3A_70 = arith.constant 2048 : index
    %get3A_71 = arith.constant 0 : index
    %get3A_72 = vector.load %arg2[%get3A_70, %get3A_71] : memref<8192x32xf32, #tpu.memory_space<vmem>>, vector<1024x32xf32>
    %get3A_73 = arith.constant 2048 : index
    %get3A_74 = arith.constant 0 : index
    %get3A_75 = vector.load %arg4[%get3A_73, %get3A_74] : memref<8192x1xf32, #tpu.memory_space<vmem>>, vector<1024x1xf32>
    %dot_general3A_76 = arith.constant dense<0.000000e+00> : vector<1024x1024xf32>
    %dot_general3A_77 = tpu.matmul %get3A_72, %get3A_3, %dot_general3A_76 {dimension_numbers = #tpu.dot_dimension_numbers<[1], [0], [0], [1], [0, 0, 1, 1], [], []>, transpose_lhs_hint = false} : vector<1024x32xf32>, vector<32x1024xf32>, vector<1024x1024xf32> -> vector<1024x1024xf32>
    %add3A_78 = vector.broadcast %get3A_8 : vector<1x1024xf32> to vector<1024x1024xf32>
    %add3A_79 = vector.broadcast %get3A_75 : vector<1024x1xf32> to vector<1024x1024xf32>
    %add3A_80 = arith.addf %add3A_78, %add3A_79 : vector<1024x1024xf32>
    %sub3A_81 = arith.subf %add3A_80, %dot_general3A_77 : vector<1024x1024xf32>
    %reduce_min3A_82 = arith.constant dense<0x7F800000> : vector<1024xf32>
    %reduce_min3A_83 = vector.multi_reduction <minimumf>, %sub3A_81, %reduce_min3A_82 [0] : vector<1024x1024xf32> to vector<1024xf32>
    %broadcast_in_dim3A_84 = vector.shape_cast %reduce_min3A_83 : vector<1024xf32> to vector<1x1024xf32>
    %eq3A_85 = vector.broadcast %broadcast_in_dim3A_84 : vector<1x1024xf32> to vector<1024x1024xf32>
    %eq3A_86 = arith.cmpf oeq, %sub3A_81, %eq3A_85 : vector<1024x1024xf32>
    %jit3A_87 = arith.constant 8.192000e+03 : f32
    %broadcast_in_dim3A_88 = vector.broadcast %jit3A_87 : f32 to vector<1024x1024xf32>
    %select_n3A_89 = arith.select %eq3A_86, %convert_element_type3A, %broadcast_in_dim3A_88 : vector<1024x1024xi1>, vector<1024x1024xf32>
    %reduce_min3A_90 = arith.constant dense<0x7F800000> : vector<1024xf32>
    %reduce_min3A_91 = vector.multi_reduction <minimumf>, %select_n3A_89, %reduce_min3A_90 [0] : vector<1024x1024xf32> to vector<1024xf32>
    %broadcast_in_dim3A_92 = vector.shape_cast %reduce_min3A_91 : vector<1024xf32> to vector<1x1024xf32>
    %lt3A_93 = arith.cmpf olt, %broadcast_in_dim3A_84, %select_n3A_64 : vector<1x1024xf32>
    %select_n3A_94 = arith.select %lt3A_93, %broadcast_in_dim3A_84, %select_n3A_64 : vector<1x1024xi1>, vector<1x1024xf32>
    %convert_element_type3A_95 = arith.fptosi %broadcast_in_dim3A_92 : vector<1x1024xf32> to vector<1x1024xi32>
    %add3A_96 = arith.constant 2048 : i32
    %add3A_97 = vector.broadcast %add3A_96 : i32 to vector<1x1024xi32>
    %add3A_98 = arith.addi %convert_element_type3A_95, %add3A_97 : vector<1x1024xi32>
    %select_n3A_99 = arith.select %lt3A_93, %add3A_98, %select_n3A_69 : vector<1x1024xi1>, vector<1x1024xi32>
    %get3A_100 = arith.constant 3072 : index
    %get3A_101 = arith.constant 0 : index
    %get3A_102 = vector.load %arg2[%get3A_100, %get3A_101] : memref<8192x32xf32, #tpu.memory_space<vmem>>, vector<1024x32xf32>
    %get3A_103 = arith.constant 3072 : index
    %get3A_104 = arith.constant 0 : index
    %get3A_105 = vector.load %arg4[%get3A_103, %get3A_104] : memref<8192x1xf32, #tpu.memory_space<vmem>>, vector<1024x1xf32>
    %dot_general3A_106 = arith.constant dense<0.000000e+00> : vector<1024x1024xf32>
    %dot_general3A_107 = tpu.matmul %get3A_102, %get3A_3, %dot_general3A_106 {dimension_numbers = #tpu.dot_dimension_numbers<[1], [0], [0], [1], [0, 0, 1, 1], [], []>, transpose_lhs_hint = false} : vector<1024x32xf32>, vector<32x1024xf32>, vector<1024x1024xf32> -> vector<1024x1024xf32>
    %add3A_108 = vector.broadcast %get3A_8 : vector<1x1024xf32> to vector<1024x1024xf32>
    %add3A_109 = vector.broadcast %get3A_105 : vector<1024x1xf32> to vector<1024x1024xf32>
    %add3A_110 = arith.addf %add3A_108, %add3A_109 : vector<1024x1024xf32>
    %sub3A_111 = arith.subf %add3A_110, %dot_general3A_107 : vector<1024x1024xf32>
    %reduce_min3A_112 = arith.constant dense<0x7F800000> : vector<1024xf32>
    %reduce_min3A_113 = vector.multi_reduction <minimumf>, %sub3A_111, %reduce_min3A_112 [0] : vector<1024x1024xf32> to vector<1024xf32>
    %broadcast_in_dim3A_114 = vector.shape_cast %reduce_min3A_113 : vector<1024xf32> to vector<1x1024xf32>
    %eq3A_115 = vector.broadcast %broadcast_in_dim3A_114 : vector<1x1024xf32> to vector<1024x1024xf32>
    %eq3A_116 = arith.cmpf oeq, %sub3A_111, %eq3A_115 : vector<1024x1024xf32>
    %jit3A_117 = arith.constant 8.192000e+03 : f32
    %broadcast_in_dim3A_118 = vector.broadcast %jit3A_117 : f32 to vector<1024x1024xf32>
    %select_n3A_119 = arith.select %eq3A_116, %convert_element_type3A, %broadcast_in_dim3A_118 : vector<1024x1024xi1>, vector<1024x1024xf32>
    %reduce_min3A_120 = arith.constant dense<0x7F800000> : vector<1024xf32>
    %reduce_min3A_121 = vector.multi_reduction <minimumf>, %select_n3A_119, %reduce_min3A_120 [0] : vector<1024x1024xf32> to vector<1024xf32>
    %broadcast_in_dim3A_122 = vector.shape_cast %reduce_min3A_121 : vector<1024xf32> to vector<1x1024xf32>
    %lt3A_123 = arith.cmpf olt, %broadcast_in_dim3A_114, %select_n3A_94 : vector<1x1024xf32>
    %select_n3A_124 = arith.select %lt3A_123, %broadcast_in_dim3A_114, %select_n3A_94 : vector<1x1024xi1>, vector<1x1024xf32>
    %convert_element_type3A_125 = arith.fptosi %broadcast_in_dim3A_122 : vector<1x1024xf32> to vector<1x1024xi32>
    %add3A_126 = arith.constant 3072 : i32
    %add3A_127 = vector.broadcast %add3A_126 : i32 to vector<1x1024xi32>
    %add3A_128 = arith.addi %convert_element_type3A_125, %add3A_127 : vector<1x1024xi32>
    %select_n3A_129 = arith.select %lt3A_123, %add3A_128, %select_n3A_99 : vector<1x1024xi1>, vector<1x1024xi32>
    %lt3A_130 = arith.cmpf olt, %select_n3A_124, %broadcast_in_dim3A_9 : vector<1x1024xf32>
    %select_n3A_131 = arith.select %lt3A_130, %select_n3A_124, %broadcast_in_dim3A_9 : vector<1x1024xi1>, vector<1x1024xf32>
    %bitcast_convert_type3A = tpu.bitcast %select_n3A_131 : vector<1x1024xf32> -> vector<1x1024xi32>
    %shift_right_logical3A = arith.constant 16 : i32
    %shift_right_logical3A_132 = vector.broadcast %shift_right_logical3A : i32 to vector<1x1024xi32>
    %shift_right_logical3A_133 = arith.shrui %bitcast_convert_type3A, %shift_right_logical3A_132 : vector<1x1024xi32>
    %and3A = arith.constant 1 : i32
    %and3A_134 = vector.broadcast %and3A : i32 to vector<1x1024xi32>
    %and3A_135 = arith.andi %shift_right_logical3A_133, %and3A_134 : vector<1x1024xi32>
    %add3A_136 = arith.constant 32767 : i32
    %add3A_137 = vector.broadcast %add3A_136 : i32 to vector<1x1024xi32>
    %add3A_138 = arith.addi %bitcast_convert_type3A, %add3A_137 : vector<1x1024xi32>
    %add3A_139 = arith.addi %add3A_138, %and3A_135 : vector<1x1024xi32>
    %and3A_140 = arith.constant -65536 : i32
    %and3A_141 = vector.broadcast %and3A_140 : i32 to vector<1x1024xi32>
    %and3A_142 = arith.andi %add3A_139, %and3A_141 : vector<1x1024xi32>
    %bitcast_convert_type3A_143 = tpu.bitcast %and3A_142 : vector<1x1024xi32> -> vector<1x1024xf32>
    %select_n3A_144 = arith.select %lt3A_130, %select_n3A_124, %broadcast_in_dim3A_11 : vector<1x1024xi1>, vector<1x1024xf32>
    %select_n3A_145 = arith.select %lt3A_130, %select_n3A_129, %broadcast_in_dim3A_13 : vector<1x1024xi1>, vector<1x1024xi32>
    %broadcast_in_dim3A_146 = arith.constant 0x7F800000 : f32
    %broadcast_in_dim3A_147 = vector.broadcast %broadcast_in_dim3A_146 : f32 to vector<1x1024xf32>
    %broadcast_in_dim3A_148 = arith.constant 0 : i32
    %broadcast_in_dim3A_149 = vector.broadcast %broadcast_in_dim3A_148 : i32 to vector<1x1024xi32>
    %get3A_150 = arith.constant 4096 : index
    %get3A_151 = arith.constant 0 : index
    %get3A_152 = vector.load %arg2[%get3A_150, %get3A_151] : memref<8192x32xf32, #tpu.memory_space<vmem>>, vector<1024x32xf32>
    %get3A_153 = arith.constant 4096 : index
    %get3A_154 = arith.constant 0 : index
    %get3A_155 = vector.load %arg4[%get3A_153, %get3A_154] : memref<8192x1xf32, #tpu.memory_space<vmem>>, vector<1024x1xf32>
    %dot_general3A_156 = arith.constant dense<0.000000e+00> : vector<1024x1024xf32>
    %dot_general3A_157 = tpu.matmul %get3A_152, %get3A_3, %dot_general3A_156 {dimension_numbers = #tpu.dot_dimension_numbers<[1], [0], [0], [1], [0, 0, 1, 1], [], []>, transpose_lhs_hint = false} : vector<1024x32xf32>, vector<32x1024xf32>, vector<1024x1024xf32> -> vector<1024x1024xf32>
    %add3A_158 = vector.broadcast %get3A_8 : vector<1x1024xf32> to vector<1024x1024xf32>
    %add3A_159 = vector.broadcast %get3A_155 : vector<1024x1xf32> to vector<1024x1024xf32>
    %add3A_160 = arith.addf %add3A_158, %add3A_159 : vector<1024x1024xf32>
    %sub3A_161 = arith.subf %add3A_160, %dot_general3A_157 : vector<1024x1024xf32>
    %reduce_min3A_162 = arith.constant dense<0x7F800000> : vector<1024xf32>
    %reduce_min3A_163 = vector.multi_reduction <minimumf>, %sub3A_161, %reduce_min3A_162 [0] : vector<1024x1024xf32> to vector<1024xf32>
    %broadcast_in_dim3A_164 = vector.shape_cast %reduce_min3A_163 : vector<1024xf32> to vector<1x1024xf32>
    %eq3A_165 = vector.broadcast %broadcast_in_dim3A_164 : vector<1x1024xf32> to vector<1024x1024xf32>
    %eq3A_166 = arith.cmpf oeq, %sub3A_161, %eq3A_165 : vector<1024x1024xf32>
    %jit3A_167 = arith.constant 8.192000e+03 : f32
    %broadcast_in_dim3A_168 = vector.broadcast %jit3A_167 : f32 to vector<1024x1024xf32>
    %select_n3A_169 = arith.select %eq3A_166, %convert_element_type3A, %broadcast_in_dim3A_168 : vector<1024x1024xi1>, vector<1024x1024xf32>
    %reduce_min3A_170 = arith.constant dense<0x7F800000> : vector<1024xf32>
    %reduce_min3A_171 = vector.multi_reduction <minimumf>, %select_n3A_169, %reduce_min3A_170 [0] : vector<1024x1024xf32> to vector<1024xf32>
    %broadcast_in_dim3A_172 = vector.shape_cast %reduce_min3A_171 : vector<1024xf32> to vector<1x1024xf32>
    %lt3A_173 = arith.cmpf olt, %broadcast_in_dim3A_164, %broadcast_in_dim3A_147 : vector<1x1024xf32>
    %select_n3A_174 = arith.select %lt3A_173, %broadcast_in_dim3A_164, %broadcast_in_dim3A_147 : vector<1x1024xi1>, vector<1x1024xf32>
    %convert_element_type3A_175 = arith.fptosi %broadcast_in_dim3A_172 : vector<1x1024xf32> to vector<1x1024xi32>
    %add3A_176 = arith.constant 4096 : i32
    %add3A_177 = vector.broadcast %add3A_176 : i32 to vector<1x1024xi32>
    %add3A_178 = arith.addi %convert_element_type3A_175, %add3A_177 : vector<1x1024xi32>
    %select_n3A_179 = arith.select %lt3A_173, %add3A_178, %broadcast_in_dim3A_149 : vector<1x1024xi1>, vector<1x1024xi32>
    %get3A_180 = arith.constant 5120 : index
    %get3A_181 = arith.constant 0 : index
    %get3A_182 = vector.load %arg2[%get3A_180, %get3A_181] : memref<8192x32xf32, #tpu.memory_space<vmem>>, vector<1024x32xf32>
    %get3A_183 = arith.constant 5120 : index
    %get3A_184 = arith.constant 0 : index
    %get3A_185 = vector.load %arg4[%get3A_183, %get3A_184] : memref<8192x1xf32, #tpu.memory_space<vmem>>, vector<1024x1xf32>
    %dot_general3A_186 = arith.constant dense<0.000000e+00> : vector<1024x1024xf32>
    %dot_general3A_187 = tpu.matmul %get3A_182, %get3A_3, %dot_general3A_186 {dimension_numbers = #tpu.dot_dimension_numbers<[1], [0], [0], [1], [0, 0, 1, 1], [], []>, transpose_lhs_hint = false} : vector<1024x32xf32>, vector<32x1024xf32>, vector<1024x1024xf32> -> vector<1024x1024xf32>
    %add3A_188 = vector.broadcast %get3A_8 : vector<1x1024xf32> to vector<1024x1024xf32>
    %add3A_189 = vector.broadcast %get3A_185 : vector<1024x1xf32> to vector<1024x1024xf32>
    %add3A_190 = arith.addf %add3A_188, %add3A_189 : vector<1024x1024xf32>
    %sub3A_191 = arith.subf %add3A_190, %dot_general3A_187 : vector<1024x1024xf32>
    %reduce_min3A_192 = arith.constant dense<0x7F800000> : vector<1024xf32>
    %reduce_min3A_193 = vector.multi_reduction <minimumf>, %sub3A_191, %reduce_min3A_192 [0] : vector<1024x1024xf32> to vector<1024xf32>
    %broadcast_in_dim3A_194 = vector.shape_cast %reduce_min3A_193 : vector<1024xf32> to vector<1x1024xf32>
    %eq3A_195 = vector.broadcast %broadcast_in_dim3A_194 : vector<1x1024xf32> to vector<1024x1024xf32>
    %eq3A_196 = arith.cmpf oeq, %sub3A_191, %eq3A_195 : vector<1024x1024xf32>
    %jit3A_197 = arith.constant 8.192000e+03 : f32
    %broadcast_in_dim3A_198 = vector.broadcast %jit3A_197 : f32 to vector<1024x1024xf32>
    %select_n3A_199 = arith.select %eq3A_196, %convert_element_type3A, %broadcast_in_dim3A_198 : vector<1024x1024xi1>, vector<1024x1024xf32>
    %reduce_min3A_200 = arith.constant dense<0x7F800000> : vector<1024xf32>
    %reduce_min3A_201 = vector.multi_reduction <minimumf>, %select_n3A_199, %reduce_min3A_200 [0] : vector<1024x1024xf32> to vector<1024xf32>
    %broadcast_in_dim3A_202 = vector.shape_cast %reduce_min3A_201 : vector<1024xf32> to vector<1x1024xf32>
    %lt3A_203 = arith.cmpf olt, %broadcast_in_dim3A_194, %select_n3A_174 : vector<1x1024xf32>
    %select_n3A_204 = arith.select %lt3A_203, %broadcast_in_dim3A_194, %select_n3A_174 : vector<1x1024xi1>, vector<1x1024xf32>
    %convert_element_type3A_205 = arith.fptosi %broadcast_in_dim3A_202 : vector<1x1024xf32> to vector<1x1024xi32>
    %add3A_206 = arith.constant 5120 : i32
    %add3A_207 = vector.broadcast %add3A_206 : i32 to vector<1x1024xi32>
    %add3A_208 = arith.addi %convert_element_type3A_205, %add3A_207 : vector<1x1024xi32>
    %select_n3A_209 = arith.select %lt3A_203, %add3A_208, %select_n3A_179 : vector<1x1024xi1>, vector<1x1024xi32>
    %get3A_210 = arith.constant 6144 : index
    %get3A_211 = arith.constant 0 : index
    %get3A_212 = vector.load %arg2[%get3A_210, %get3A_211] : memref<8192x32xf32, #tpu.memory_space<vmem>>, vector<1024x32xf32>
    %get3A_213 = arith.constant 6144 : index
    %get3A_214 = arith.constant 0 : index
    %get3A_215 = vector.load %arg4[%get3A_213, %get3A_214] : memref<8192x1xf32, #tpu.memory_space<vmem>>, vector<1024x1xf32>
    %dot_general3A_216 = arith.constant dense<0.000000e+00> : vector<1024x1024xf32>
    %dot_general3A_217 = tpu.matmul %get3A_212, %get3A_3, %dot_general3A_216 {dimension_numbers = #tpu.dot_dimension_numbers<[1], [0], [0], [1], [0, 0, 1, 1], [], []>, transpose_lhs_hint = false} : vector<1024x32xf32>, vector<32x1024xf32>, vector<1024x1024xf32> -> vector<1024x1024xf32>
    %add3A_218 = vector.broadcast %get3A_8 : vector<1x1024xf32> to vector<1024x1024xf32>
    %add3A_219 = vector.broadcast %get3A_215 : vector<1024x1xf32> to vector<1024x1024xf32>
    %add3A_220 = arith.addf %add3A_218, %add3A_219 : vector<1024x1024xf32>
    %sub3A_221 = arith.subf %add3A_220, %dot_general3A_217 : vector<1024x1024xf32>
    %reduce_min3A_222 = arith.constant dense<0x7F800000> : vector<1024xf32>
    %reduce_min3A_223 = vector.multi_reduction <minimumf>, %sub3A_221, %reduce_min3A_222 [0] : vector<1024x1024xf32> to vector<1024xf32>
    %broadcast_in_dim3A_224 = vector.shape_cast %reduce_min3A_223 : vector<1024xf32> to vector<1x1024xf32>
    %eq3A_225 = vector.broadcast %broadcast_in_dim3A_224 : vector<1x1024xf32> to vector<1024x1024xf32>
    %eq3A_226 = arith.cmpf oeq, %sub3A_221, %eq3A_225 : vector<1024x1024xf32>
    %jit3A_227 = arith.constant 8.192000e+03 : f32
    %broadcast_in_dim3A_228 = vector.broadcast %jit3A_227 : f32 to vector<1024x1024xf32>
    %select_n3A_229 = arith.select %eq3A_226, %convert_element_type3A, %broadcast_in_dim3A_228 : vector<1024x1024xi1>, vector<1024x1024xf32>
    %reduce_min3A_230 = arith.constant dense<0x7F800000> : vector<1024xf32>
    %reduce_min3A_231 = vector.multi_reduction <minimumf>, %select_n3A_229, %reduce_min3A_230 [0] : vector<1024x1024xf32> to vector<1024xf32>
    %broadcast_in_dim3A_232 = vector.shape_cast %reduce_min3A_231 : vector<1024xf32> to vector<1x1024xf32>
    %lt3A_233 = arith.cmpf olt, %broadcast_in_dim3A_224, %select_n3A_204 : vector<1x1024xf32>
    %select_n3A_234 = arith.select %lt3A_233, %broadcast_in_dim3A_224, %select_n3A_204 : vector<1x1024xi1>, vector<1x1024xf32>
    %convert_element_type3A_235 = arith.fptosi %broadcast_in_dim3A_232 : vector<1x1024xf32> to vector<1x1024xi32>
    %add3A_236 = arith.constant 6144 : i32
    %add3A_237 = vector.broadcast %add3A_236 : i32 to vector<1x1024xi32>
    %add3A_238 = arith.addi %convert_element_type3A_235, %add3A_237 : vector<1x1024xi32>
    %select_n3A_239 = arith.select %lt3A_233, %add3A_238, %select_n3A_209 : vector<1x1024xi1>, vector<1x1024xi32>
    %get3A_240 = arith.constant 7168 : index
    %get3A_241 = arith.constant 0 : index
    %get3A_242 = vector.load %arg2[%get3A_240, %get3A_241] : memref<8192x32xf32, #tpu.memory_space<vmem>>, vector<1024x32xf32>
    %get3A_243 = arith.constant 7168 : index
    %get3A_244 = arith.constant 0 : index
    %get3A_245 = vector.load %arg4[%get3A_243, %get3A_244] : memref<8192x1xf32, #tpu.memory_space<vmem>>, vector<1024x1xf32>
    %dot_general3A_246 = arith.constant dense<0.000000e+00> : vector<1024x1024xf32>
    %dot_general3A_247 = tpu.matmul %get3A_242, %get3A_3, %dot_general3A_246 {dimension_numbers = #tpu.dot_dimension_numbers<[1], [0], [0], [1], [0, 0, 1, 1], [], []>, transpose_lhs_hint = false} : vector<1024x32xf32>, vector<32x1024xf32>, vector<1024x1024xf32> -> vector<1024x1024xf32>
    %add3A_248 = vector.broadcast %get3A_8 : vector<1x1024xf32> to vector<1024x1024xf32>
    %add3A_249 = vector.broadcast %get3A_245 : vector<1024x1xf32> to vector<1024x1024xf32>
    %add3A_250 = arith.addf %add3A_248, %add3A_249 : vector<1024x1024xf32>
    %sub3A_251 = arith.subf %add3A_250, %dot_general3A_247 : vector<1024x1024xf32>
    %reduce_min3A_252 = arith.constant dense<0x7F800000> : vector<1024xf32>
    %reduce_min3A_253 = vector.multi_reduction <minimumf>, %sub3A_251, %reduce_min3A_252 [0] : vector<1024x1024xf32> to vector<1024xf32>
    %broadcast_in_dim3A_254 = vector.shape_cast %reduce_min3A_253 : vector<1024xf32> to vector<1x1024xf32>
    %eq3A_255 = vector.broadcast %broadcast_in_dim3A_254 : vector<1x1024xf32> to vector<1024x1024xf32>
    %eq3A_256 = arith.cmpf oeq, %sub3A_251, %eq3A_255 : vector<1024x1024xf32>
    %jit3A_257 = arith.constant 8.192000e+03 : f32
    %broadcast_in_dim3A_258 = vector.broadcast %jit3A_257 : f32 to vector<1024x1024xf32>
    %select_n3A_259 = arith.select %eq3A_256, %convert_element_type3A, %broadcast_in_dim3A_258 : vector<1024x1024xi1>, vector<1024x1024xf32>
    %reduce_min3A_260 = arith.constant dense<0x7F800000> : vector<1024xf32>
    %reduce_min3A_261 = vector.multi_reduction <minimumf>, %select_n3A_259, %reduce_min3A_260 [0] : vector<1024x1024xf32> to vector<1024xf32>
    %broadcast_in_dim3A_262 = vector.shape_cast %reduce_min3A_261 : vector<1024xf32> to vector<1x1024xf32>
    %lt3A_263 = arith.cmpf olt, %broadcast_in_dim3A_254, %select_n3A_234 : vector<1x1024xf32>
    %select_n3A_264 = arith.select %lt3A_263, %broadcast_in_dim3A_254, %select_n3A_234 : vector<1x1024xi1>, vector<1x1024xf32>
    %convert_element_type3A_265 = arith.fptosi %broadcast_in_dim3A_262 : vector<1x1024xf32> to vector<1x1024xi32>
    %add3A_266 = arith.constant 7168 : i32
    %add3A_267 = vector.broadcast %add3A_266 : i32 to vector<1x1024xi32>
    %add3A_268 = arith.addi %convert_element_type3A_265, %add3A_267 : vector<1x1024xi32>
    %select_n3A_269 = arith.select %lt3A_263, %add3A_268, %select_n3A_239 : vector<1x1024xi1>, vector<1x1024xi32>
    %lt3A_270 = arith.cmpf olt, %select_n3A_264, %bitcast_convert_type3A_143 : vector<1x1024xf32>
    %select_n3A_271 = arith.select %lt3A_270, %select_n3A_264, %select_n3A_144 : vector<1x1024xi1>, vector<1x1024xf32>
    %select_n3A_272 = arith.select %lt3A_270, %select_n3A_269, %select_n3A_145 : vector<1x1024xi1>, vector<1x1024xi32>
    %swap3A = arith.constant 0 : index
    %swap3A_273 = arith.constant 0 : index
    %swap3A_274 = arith.constant 0 : index
    %swap3A_275 = vector.load %arg5[%swap3A, %swap3A_273, %swap3A_274] : memref<1x1x1024xi32, #tpu.memory_space<vmem>>, vector<1x1x1024xi32>
    %swap3A_276 = vector.shape_cast %swap3A_275 : vector<1x1x1024xi32> to vector<1x1024xi32>
    %swap3A_277 = vector.shape_cast %select_n3A_272 : vector<1x1024xi32> to vector<1x1x1024xi32>
    tpu.vector_store %arg5[%swap3A, %swap3A_273, %swap3A_274], %swap3A_277 {strides = array<i32>} : memref<1x1x1024xi32, #tpu.memory_space<vmem>>, vector<1x1x1024xi32>,
    %swap3A_278 = arith.constant 0 : index
    %swap3A_279 = arith.constant 0 : index
    %swap3A_280 = arith.constant 0 : index
    %swap3A_281 = vector.load %arg6[%swap3A_278, %swap3A_279, %swap3A_280] : memref<1x1x1024xf32, #tpu.memory_space<vmem>>, vector<1x1x1024xf32>
    %swap3A_282 = vector.shape_cast %swap3A_281 : vector<1x1x1024xf32> to vector<1x1024xf32>
    %swap3A_283 = vector.shape_cast %select_n3A_271 : vector<1x1024xf32> to vector<1x1x1024xf32>
    tpu.vector_store %arg6[%swap3A_278, %swap3A_279, %swap3A_280], %swap3A_283 {strides = array<i32>} : memref<1x1x1024xf32, #tpu.memory_space<vmem>>, vector<1x1x1024xf32>,
    return
  }
  func.func @transform_0(%arg0: i32) -> (i32, i32, i32) {
    %c0_i32 = arith.constant 0 : i32
    %c0_i32_0 = arith.constant 0 : i32
    %c0_i32_1 = arith.constant 0 : i32
    return %arg0, %c0_i32, %c0_i32_0 : i32, i32, i32
  }
  func.func @transform_1(%arg0: i32) -> (i32, i32) {
    %c0_i32 = arith.constant 0 : i32
    %c0_i32_0 = arith.constant 0 : i32
    %c0_i32_1 = arith.constant 0 : i32
    return %c0_i32, %c0_i32_0 : i32, i32
  }
  func.func @transform_2(%arg0: i32) -> (i32, i32, i32) {
    %c0_i32 = arith.constant 0 : i32
    %c0_i32_0 = arith.constant 0 : i32
    %c0_i32_1 = arith.constant 0 : i32
    return %arg0, %c0_i32, %c0_i32_0 : i32, i32, i32
  }
  func.func @transform_3(%arg0: i32) -> (i32, i32) {
    %c0_i32 = arith.constant 0 : i32
    %c0_i32_0 = arith.constant 0 : i32
    %c0_i32_1 = arith.constant 0 : i32
    return %c0_i32, %c0_i32_0 : i32, i32
  }
  func.func @transform_4(%arg0: i32) -> (i32, i32, i32) {
    %c0_i32 = arith.constant 0 : i32
    %c0_i32_0 = arith.constant 0 : i32
    %c0_i32_1 = arith.constant 0 : i32
    return %arg0, %c0_i32, %c0_i32_0 : i32, i32, i32
  }
  func.func @transform_5(%arg0: i32) -> (i32, i32, i32) {
    %c0_i32 = arith.constant 0 : i32
    %c0_i32_0 = arith.constant 0 : i32
    %c0_i32_1 = arith.constant 0 : i32
    return %arg0, %c0_i32, %c0_i32_0 : i32, i32, i32
  }
}

</mosaic_0001>

<sc_bundles>
// kernel: kernel.4.cloned.1.call-start
scs
__scs_entry_jumppad:
0x0: {  	(pc) =	sbr.rel $0x88, $3  }
0x1: {  	(tag) =	ssettag $0x0;
	lr =	simm.s32 $0x1  }
0x2: {  	[smem:$0x3F9F] =	sst lr;
	_ =	strace $0xD0000000  }
0x3: {  	_ = 	snop  }
0x4: {  	_ = 	snop  }
0x5: {  	_ = 	snop  }
0x6: {  	_ = 	snop  }
0x7: {  	_ = 	snop  }
__scs_overlays_trampoline_lowered:
0x8: {  	[smem:$0x3FAE] =	sst s0  }
0x9: {  	[smem:$0x3FAF] =	sst s1  }
0xa: {  	[smem:$0x3FB0] =	sst s2  }
0xb: {  	[smem:$0x3FB1] =	sst s3  }
0xc: {  	[smem:$0x3FB2] =	sst s4  }
0xd: {  	[smem:$0x3FB3] =	sst s5  }
0xe: {  	[smem:$0x3FB4] =	sst s6  }
0xf: {  	[smem:$0x3FB5] =	sst s7  }
0x10: {  	[smem:$0x3FB6] =	sst s8  }
0x11: {  	[smem:$0x3FB7] =	sst s9;
	s0 =	simm.s32 @!p0 $0x0  }
0x12: {  	s1 =	sld [smem:$0x3F9D];
	s0 =	simm.s32 @p0 $0x1  }
0x13: {  	[smem:$0x3FB8] =	sst s0;
	s0 =	simm.s32 @!p1 $0x0  }
0x14: {  	s2 =	sld [smem:$0x3F9C];
	s0 =	simm.s32 @p1 $0x1  }
0x15: {  	[smem:$0x3FB9] =	sst s0;
	s0 =	simm.s32 @!p2 $0x0  }
0x16: {  	s3 =	sld [smem:$0x3FDB];
	s0 =	simm.s32 @p2 $0x1  }
0x17: {  	s4 =	simm.s32 $0x1BF5;
	[smem:$0x3FBB] =	sst s0  }
0x18: {  	s0 =	sld [smem:$0x3F9E];
	_ =	swait.ge [sflag:s4], $0x0  }
0x19: {  	s7 =	sld [smem:$0x3F9F]  }
0x1a: {  	s8 =	sadd.s32 $0xFFFFE003, lr  }
0x1b: {  	s9 =	sadd.s32 $0xFFFFFEF7, lr;
	s5 =	simm.s32 $0xFFFFFFFF;
	p2 =	slt.u32 s8, $0xFFFFF086  }
0x1c: {  	p1 =	slt.u32 s9, $0xF7A;
	s5 =	simm.s32 @!p2 $0x0  }
0x1d: {  	s5 =	simm.s32 @p1 $0x1;
	p0 =	seq.s32 s7, s2  }
0x1e: {  	s7 =	smul.u32 @!p0 $0xF7A, s2;
	p2 =	seq.s32 @!p0 s5, $0x0  }
0x1f: {  	s9 =	smul.u32 $0xF7A, s1;
	s8 =	simm.s32 @!p0 $0x1BF5;
	p2 =	por !p2, p0  }
0x20: {  	[sflag:s8] =	ssyncset.s32 @!p0 $0xFFFFF086;
	s6 =	sadd.s32 @!p0 s3, s7;
	s7 =	simm.s32 @!p0 $0x108  }
0x21: {  	s3 =	sadd.s32 s3, s9;
	s6 =	sadd.s32 @!p0 $0x88, s6;
	s7 =	simm.s32 @p2 $0x1082  }
0x22: {  	[simem:s7], [sflag:s8] =	dma.local @!p0 [hbm:s6], $0xF7A  }
0x23: {  	s9 =	sor.u32 $0xD0000000, s2;
	s6 =	simm.s32 $0x108;
	_ =	swait.ge @!p0 [sflag:s8], $0x0  }
0x24: {  	s3 =	sadd.s32 $0x88, s3;
	s6 =	simm.s32 @!p1 $0x1082;
	[sflag:s4] =	ssyncset.s32 $0xFFFFF086  }
0x25: {  	[simem:s6], [sflag:s4] =	dma.local [hbm:s3], $0xF7A  }
0x26: {  	[smem:$0x3F9F] =	sst s1;
	(tag) =	ssettag s2;
	_ =	strace s9  }
0x27: {  	s1 =	sld [smem:$0x3FAF]  }
0x28: {  	s2 =	sld [smem:$0x3FB0]  }
0x29: {  	s4 =	sld [smem:$0x3FB2]  }
0x2a: {  	p0 =	seq.s32 s5, $0x0;
	s5 =	sld [smem:$0x3FB3]  }
0x2b: {  	s6 =	sld [smem:$0x3FB4]  }
0x2c: {  	s7 =	sld [smem:$0x3FB5]  }
0x2d: {  	s3 =	simm.s32 $0x108;
	s8 =	sld [smem:$0x3FB6]  }
0x2e: {  	s3 =	simm.s32 @!p0 $0x1082;
	s9 =	sld [smem:$0x3FB7]  }
0x2f: {  	lr =	sadd.s32 s0, s3;
	s0 =	sld [smem:$0x3FAE]  }
0x30: {  	s3 =	sld [smem:$0x3FB1]  }
0x31: {  	[smem:$0x3FBA] =	sst s10  }
0x32: {  	s10 =	sld [smem:$0x3FB8];
	_ =	sdelay $0x3  }
0x33: {  	p0 =	seq.s32 s10, $0x1;
	s10 =	sld [smem:$0x3FBA];
	_ =	sdelay $0x3  }
0x34: {  	[smem:$0x3FBA] =	sst s10  }
0x35: {  	s10 =	sld [smem:$0x3FB9];
	_ =	sdelay $0x3  }
0x36: {  	p1 =	seq.s32 s10, $0x1;
	s10 =	sld [smem:$0x3FBA];
	_ =	sdelay $0x3  }
0x37: {  	[smem:$0x3FBA] =	sst s10  }
0x38: {  	s10 =	sld [smem:$0x3FBB]  }
0x39: {  	_ = 	snop;
	(pc) =	sbr.ind lr, $3  }
0x3a: {  	_ = 	snop  }
0x3b: {  	_ = 	snop  }
0x3c: {  	p2 =	seq.s32 s10, $0x1;
	s10 =	sld [smem:$0x3FBA]  }
0x3d: {  	_ =	shalt  }
0x3e: {  	_ =	shalt  }
0x3f: {  	_ =	shalt  }
0x40: {  	_ =	shalt  }
0x41: {  	_ =	shalt  }
0x42: {  	_ =	shalt  }
0x43: {  	_ =	shalt  }
0x44: {  	_ =	shalt  }
0x45: {  	_ =	shalt  }
0x46: {  	_ =	shalt  }
0x47: {  	_ =	shalt  }
0x48: {  	_ =	shalt  }
0x49: {  	_ =	shalt  }
0x4a: {  	_ =	shalt  }
0x4b: {  	_ =	shalt  }
0x4c: {  	_ =	shalt  }
0x4d: {  	_ =	shalt  }
0x4e: {  	_ =	shalt  }
0x4f: {  	_ =	shalt  }
0x50: {  	_ =	shalt  }
0x51: {  	_ =	shalt  }
0x52: {  	_ =	shalt  }
0x53: {  	_ =	shalt  }
0x54: {  	_ =	shalt  }
0x55: {  	_ =	shalt  }
0x56: {  	_ =	shalt  }
0x57: {  	_ =	shalt  }
0x58: {  	_ =	shalt  }
0x59: {  	_ =	shalt  }
0x5a: {  	_ =	shalt  }
0x5b: {  	_ =	shalt  }
0x5c: {  	_ =	shalt  }
0x5d: {  	_ =	shalt  }
0x5e: {  	_ =	shalt  }
0x5f: {  	_ =	shalt  }
0x60: {  	_ =	shalt  }
0x61: {  	_ =	shalt  }
0x62: {  	_ =	shalt  }
0x63: {  	_ =	shalt  }
0x64: {  	_ =	shalt  }
0x65: {  	_ =	shalt  }
0x66: {  	_ =	shalt  }
0x67: {  	_ =	shalt  }
0x68: {  	_ =	shalt  }
0x69: {  	_ =	shalt  }
0x6a: {  	_ =	shalt  }
0x6b: {  	_ =	shalt  }
0x6c: {  	_ =	shalt  }
0x6d: {  	_ =	shalt  }
0x6e: {  	_ =	shalt  }
0x6f: {  	_ =	shalt  }
0x70: {  	_ =	shalt  }
0x71: {  	_ =	shalt  }
0x72: {  	_ =	shalt  }
0x73: {  	_ =	shalt  }
0x74: {  	_ =	shalt  }
0x75: {  	_ =	shalt  }
0x76: {  	_ =	shalt  }
0x77: {  	_ =	shalt  }
0x78: {  	_ =	shalt  }
0x79: {  	_ =	shalt  }
0x7a: {  	_ =	shalt  }
0x7b: {  	_ =	shalt  }
0x7c: {  	_ =	shalt  }
0x7d: {  	_ =	shalt  }
0x7e: {  	_ =	shalt  }
0x7f: {  	_ =	shalt  }
0x80: {  	_ =	shalt  }
0x81: {  	_ =	shalt  }
0x82: {  	_ =	shalt  }
0x83: {  	_ =	shalt  }
0x84: {  	_ =	shalt  }
0x85: {  	_ =	shalt  }
0x86: {  	_ =	shalt  }
0x87: {  	_ =	shalt  }
.Lfunc_end0:
.L_simem_size_0:
called_computation_lowered:
.L_overlay_start_0:
0x88: {  	s2 =	sld [smem:$0x3FD9]  }
0x89: {  	s3 =	sld [smem:$0x3FFE];
	_ =	sdelay $0x1  }
0x8a: {  	s1 =	srdreg.scid  }
0x8b: {  	s0 =	sand.u32 $0x1, s1  }
0x8c: {  	s14 =	sshll.u32 s0, $0xA;
	s2 =	sadd.s32 s3, s2  }
0x8d: {  	s2 =	sadd.s32 s2, s14  }
0x8e: {  	[smem:$0x3FC6] =	sst s2  }
0x8f: {  	_ = 	snop  }
0x90: {  	s2 =	sld [smem:$0x3FD0];
	_ =	sdelay $0x2  }
0x91: {  	s15 =	simm.s32 $0xA;
	s4 =	simm.s32 $0x10  }
0x92: {  	[smem:s4], [sflag:s15] =	dma.local [hbm:s2], $0x1  }
0x93: {  	_ =	swait.eq [sflag:s15], $0x1  }
0x94: {  	[sflag:s15] =	ssyncset.done $0x0  }
0x95: {  	[sflag:s15] =	ssyncadd.s32 $0xFFFFFFFF  }
0x96: {  	s16 =	sld [smem:$0x11];
	(tm) =	ssettm $0x1  }
0x97: {  	s17 =	sld [smem:$0x3FFB];
	_ =	sdelay $0x3  }
0x98: {  	_ =	strace s17  }
0x99: {  	s3 =	sld [smem:$0x3FFC];
	_ =	sdelay $0x3  }
0x9a: {  	_ =	strace s3  }
0x9b: {  	s3 =	sld [smem:$0x3FFD];
	_ =	sdelay $0x3  }
0x9c: {  	_ =	strace s3  }
0x9d: {  	_ =	strace $0x8FFFFFFF  }
0x9e: {  	s18 =	sld [smem:$0x3FDB];
	_ =	sdelay $0x1  }
0x9f: {  	s19 =	simm.s32 $_scs_section_size  }
0xa0: {  	s5 =	simm.s32 $_size__tile_overlayer_lowered;
	s6 =	simm.s32 $_tile_overlayer_lowered  }
0xa1: {  	s22 =	simm.s32 $0x1BFF;
	s21 =	sshll.u32 s6, $0x1;
	s3 =	sadd.s32 s19, s18  }
0xa2: {  	s7 =	simm.s32 $0x0;
	s20 =	sshll.u32 s5, $0x1;
	s5 =	sadd.s32 s21, s3  }
0xa3: {  	[timem:s7], [sflag:s22] =	dma.local [hbm:s5], s20  }
0xa4: {  	_ =	swait.ge [sflag:s22], s20  }
0xa5: {  	s4 =	ssub.s32 $0x0, s20;
	[sflag:s22] =	ssyncset.done $0x0  }
0xa6: {  	[sflag:s22] =	ssyncadd.s32 s4;
	_ =	sdelay $0x1  }
0xa7: {  	s23 =	simm.s32 $0x1B8B  }
0xa8: {  	_ =	swait.ge [sflag:s23], $0x1  }
0xa9: {  	[sflag:s23] =	ssyncset.done $0x0  }
0xaa: {  	s25 =	simm.s32 $0x1B8E;
	s24 =	sld [smem:$0x3FFE];
	[sflag:s23] =	ssyncadd.s32 $0xFFFFFFFF  }
0xab: {  	s26 =	simm.s32 $execute0_lowered;
	[smem:$0x3FD2] =	sst s25  }
0xac: {  	s5 =	sshll.u32 s26, $0x1;
	_ =	strace $0x80000046;
	[dreg:$0x1] =	wrdreg $0xFFFFFFFF  }
0xad: {  	s28 =	simm.s32 $_size_execute0_lowered;
	s3 =	sadd.s32 s3, s5;
	[dreg:$0x0] =	wrdreg $0x0  }
0xae: {  	s5 =	sshll.u32 s28, $0x1;
	[dreg:$0x2] =	wrdreg s3  }
0xaf: {  	[dreg:$0x3] =	wrdreg s5  }
0xb0: {  	[dreg:$0x4] =	wrdreg $0xC0  }
0xb1: {  	_ =	task [dreg:s7], $0x5FFFF  }
0xb2: {  	[dreg:$0x1] =	wrdreg $0xFFFFFFFF  }
0xb3: {  	[dreg:$0x0] =	wrdreg $0x60  }
0xb4: {  	[dreg:$0x2] =	wrdreg s24  }
0xb5: {  	[dreg:$0x3] =	wrdreg s16  }
0xb6: {  	[dreg:$0x4] =	wrdreg $0x9  }
0xb7: {  	_ =	task.clear_ibuf [dreg:s7], $0x5FFFF;
	_ =	strace $0x90000046  }
0xb8: {  	s29 =	simm.s32 $0x9;
	_ =	strace $0x80000048  }
0xb9: {  	_ =	swait.ge [sflag:s29], $0x1  }
0xba: {  	[sflag:s29] =	ssyncadd.s32 $0xFFFFFFFF  }
0xbb: {  	_ =	strace $0x90000048  }
0xbc: {  	_ =	sfence  }
0xbd: {  	s30 =	sld [smem:$0x0];
	_ =	sdelay $0x2  }
0xbe: {  	s31 =	sshll.u32 s1, $0xD;
	s1 =	sshrl.u32 s1, $0x2  }
0xbf: {  	s3 =	sand.u32 $0x4000, s31;
	s1 =	sadd.s32 s1, s30  }
0xc0: {  	s0 =	sor.u32 s3, s0;
	s1 =	sshll.u32 s1, $0x11  }
0xc1: {  	s0 =	sor.u32 s1, s0  }
0xc2: {  	s0 =	sadd.s32 $0x8F2B, s0  }
0xc3: {  	[sflag:s0] =	ssyncadd.remote.s32 $0x1  }
0xc4: {  	_ =	sfence.sel $0xFFFF  }
0xc5: {  	[dreg:$0x0] =	wrdreg $0xFFFFFFFF;
	(pc) =	sbr.abs _section_cstart, $3  }
0xc6: {  	[dreg:$0x1] =	wrdreg $0xFFFFFFFF  }
0xc7: {  	_ =	task.clear_ibuf [dreg:s7], $0x2FFFF;
	_ =	strace $0x9FFFFFFF  }
0xc8: {  	(tm) =	ssettm $0x7FFFFFFF  }
0xc9: {  	_ =	shalt  }
tec
execute0_lowered:
.L_overlay_start_1:
0x0: {  	(tag) =	ssettag $0x1  }
0x1: {  	s1 =	srdreg.scid;
	s2 =	rddreg [dreg:$0x0]  }
0x2: {  	s0 =	stileid.u32;
	s4 =	rddreg [dreg:$0x1];
	s6 =	sand.u32 $0x1, s1  }
0x3: {  	s3 =	simm.s32 $0x0;
	s5 =	sshll.u32 s0, $0xA;
	s7 =	sshll.u32 s6, $0x9  }
0x4: {  	[smem:$0x7FF] =	sst s3;
	s8 =	sor.u32 s7, s5  }
0x5: {  	s1 =	rddreg [dreg:$0x2];
	_ =	strace $0x80000047;
	s5 =	sshrl.u32 s8, $0x3  }
0x6: {  	s9 =	ssub.s32 $0x2, s6;
	s5 =	sadd.s32 s4, s5;
	s4 =	simm.s32 $0x2  }
0x7: {  	[tilespmem:s3], [sflag:$0x2] =	stream.linear.gather [hbm4b:s5+s3], $0x200, $0x38;
	[tilespmem:$0x10200] =	vst v63  }
0x8: {  	s10 =	sshrl.u32 s9, $0x1;
	_ =	swait.ge [sflag:s4], $0x200  }
0x9: {  	s6 =	simm.s32 $0x200;
	s9 =	ssub.s32 s9, s10;
	[sflag:s4] =	ssyncset.done $0x0  }
0xa: {  	s7 =	simm.s32 $0x1;
	s9 =	smax.u32 s9, $0x1;
	[sflag:s4] =	ssyncadd.s32 $0xFFFFFE00  }
0xb: {  	[tilespmem:s6], [sflag:$0x1] =	stream.indirect.gather [hbm4b:s2+s6], $0x80, s3, s6, $0xb8;
	[tilespmem:$0x10200] =	vst v63  }
0xc: {  	s8 =	sshll.u32 s8, $0x4;
	p0 =	sne.s32 s9, $0x1;
	_ =	swait.ge [sflag:s7], $0x10000  }
.Ltmp0:
0xd: {  	s8 =	sadd.s32 s8, s2;
	[sflag:s7] =	ssyncset.done $0x0;
	(pc) =	sbr.rel @!p0 .LBB2_2-.Ltmp0, $4  }
0xe: {  	s8 =	sadd.s32 $0x20000, s8;
	[sflag:s7] =	ssyncadd.s32 $0xFFFF0000  }
0xf: {  	[hbm4b:s8+s3] =	stream.linear.scatter [tilespmem:s6], [sflag:$0x2], $0x10000, $0x38;
	[tilespmem:$0x10200] =	vst v63  }
0x10: {  	_ =	swait.ge [sflag:s4], $0x10000  }
0x11: {  	s9 =	sadd.s32 $0xFFFFFFFF, s9;
	[sflag:s4] =	ssyncset.done $0x0  }
.LBB2_1:
0x12: {  	p0 =	sne.s32 s9, $0x1;
	s9 =	sadd.s32 $0xFFFFFFFF, s9;
	[sflag:s4] =	ssyncadd.s32 $0xFFFF0000  }
0x13: {  	[tilespmem:s3], [sflag:$0x2] =	stream.linear.gather [hbm4b:s5+s3], $0x200, $0x38;
	[tilespmem:$0x10200] =	vst v63  }
0x14: {  	_ =	swait.ge [sflag:s4], $0x200  }
0x15: {  	[sflag:s4] =	ssyncset.done $0x0  }
0x16: {  	[sflag:s4] =	ssyncadd.s32 $0xFFFFFE00  }
0x17: {  	[tilespmem:s6], [sflag:$0x1] =	stream.indirect.gather [hbm4b:s2+s6], $0x80, s3, s6, $0xb8;
	[tilespmem:$0x10200] =	vst v63  }
0x18: {  	_ =	swait.ge [sflag:s7], $0x10000  }
.Ltmp1:
0x19: {  	[sflag:s7] =	ssyncset.done $0x0;
	(pc) =	sbr.rel @p0 .LBB2_1-.Ltmp1, $4  }
0x1a: {  	[sflag:s7] =	ssyncadd.s32 $0xFFFF0000  }
0x1b: {  	[hbm4b:s8+s3] =	stream.linear.scatter [tilespmem:s6], [sflag:$0x2], $0x10000, $0x38;
	[tilespmem:$0x10200] =	vst v63  }
0x1c: {  	_ =	swait.ge [sflag:s4], $0x10000  }
0x1d: {  	[sflag:s4] =	ssyncset.done $0x0  }
.LBB2_2:
0x1e: {  	[sflag:s4] =	ssyncadd.s32 $0xFFFF0000  }
0x1f: {  	_ =	sfence.sel $0x180000  }
0x20: {  	[bflag:$0x0] =	sbarrier.arrive $0xFFFF  }
0x21: {  	p0 =	sne.s32 s0, $0x0;
	_ =	strace $0x90000047  }
0x22: {  	s0 =	sadd.s32 @!p0 $0x100000, s1;
	[bflag:$0x2] =	sbarrier.arrive $0xFFFF  }
0x23: {  	[sflag:s0] =	ssyncadd.tile.s32 @!p0 $0x1;
	_ =	shalt  }
.Lfunc_end2:
_tile_overlayer_lowered:
.L_overlay_start_2:
0x24: {  	(tag) =	ssettag $0x2  }
0x25: {  	s0 =	rddreg [dreg:$0x0];
	s2 =	stileid.u32  }
0x26: {  	s1 =	rddreg [dreg:$0x1];
	p0 =	sne.s32 s2, $0x0  }
0x27: {  	s3 =	rddreg [dreg:$0x2];
	[bflag:$0x3] =	sbarrier.arrive $0xFFFF;
	s2 =	simm.s32 @!p0 $0x1C02  }
0x28: {  	[timem:s3], [sflag:s2] =	dma.local @!p0 [hbm:s0], s1  }
0x29: {  	s0 =	simm.s32 @!p0 $0x2  }
0x2a: {  	_ =	swait.ge @!p0 [sflag:s0], s1  }
0x2b: {  	s1 =	ssub.s32 @!p0 $0x0, s1;
	[sflag:s0] =	ssyncset.done @!p0 $0x0  }
0x2c: {  	[sflag:s0] =	ssyncadd.s32 @!p0 s1  }
0x2d: {  	[bflag:$0x3] =	sbarrier.arrive $0xFFFF  }
0x2e: {  	_ =	shalt  }

</sc_bundles>
